<compile_context>
chip_gen: v7x
topology: tpu7x:2x2x1
jax: 0.10.2.dev20260603
libtpu: 0.0.44.dev20260713+nightly
codegen_flags: <defaults>
</compile_context>

<pallas_src>
import jax
import jax.numpy as jnp
from jax.experimental import pallas as pl
from jax.experimental.pallas import tpu as pltpu

BSIZE = 32


def _row_kernel(mask_ref, x_ref, w_ref, b_ref, o_ref):
    t = pl.program_id(0)
    w_img = o_ref.shape[1]
    nbj = w_img // BSIZE
    c = x_ref.shape[2]

    xb = x_ref[...].reshape(BSIZE * w_img, c)
    q = jnp.dot(xb, w_ref[...], preferred_element_type=jnp.float32)
    q = (q + b_ref[...]).reshape(o_ref.shape)
    for j in range(nbj):
        m = mask_ref[t * nbj + j].astype(jnp.float32)
        lo, hi = j * BSIZE, (j + 1) * BSIZE
        o_ref[:, lo:hi, :] = q[:, lo:hi, :] * m


def kernel(sbnet_x, active_block_indices, num_active, Wc, bc):
    n_batch, h, w, c = sbnet_x.shape
    oc = Wc.shape[-1]
    nbi = h // BSIZE
    nbj = w // BSIZE
    nblocks = n_batch * nbi * nbj

    idx = active_block_indices
    valid = jnp.arange(idx.shape[0]) < num_active
    flat = (idx[:, 0] * nbi + idx[:, 1]) * nbj + idx[:, 2]
    flat = jnp.where(valid, flat, nblocks)
    mask = jnp.zeros((nblocks,), dtype=jnp.int32).at[flat].set(
        1, mode="drop", unique_indices=True
    )

    x3 = sbnet_x.reshape(n_batch * h, w, c)
    w2 = Wc.reshape(c, oc)
    b2 = bc.reshape(1, oc)

    out = pl.pallas_call(
        _row_kernel,
        grid_spec=pltpu.PrefetchScalarGridSpec(
            num_scalar_prefetch=1,
            grid=(n_batch * nbi,),
            in_specs=[
                pl.BlockSpec((BSIZE, w, c), lambda t, m: (t, 0, 0)),
                pl.BlockSpec((c, oc), lambda t, m: (0, 0)),
                pl.BlockSpec((1, oc), lambda t, m: (0, 0)),
            ],
            out_specs=pl.BlockSpec((BSIZE, w, oc), lambda t, m: (t, 0, 0)),
        ),
        out_shape=jax.ShapeDtypeStruct((n_batch * h, w, oc), sbnet_x.dtype),
    )(mask, x3, w2, b2)
    return out.reshape(n_batch, h, w, oc)

# --- scband reference (transcript-rebuilt; emitter-appended) ---
"""Pipeline reference for scband-sparse-block-35673998361274 (READ-ONLY COPY).

The authoritative reference and input builder live on the scoring server;
editing this copy changes nothing except your own understanding.
"""

import jax, jax.numpy as jnp
import numpy as np

N, H, W, C = 2, 384, 384, 96
BCOUNT = (12, 12)
KSIZE = 1
STRIDE = 1
# block params per calc_block_params: pad=0, bsize=32, bsize_out=32, bstride=32
BSIZE = 32
BOUT = 32
BSTRIDE = 32
OUT_C = 96
NUM_ACTIVE = 144


def setup_inputs(seed: int = 0):
    key = jax.random.key(seed)
    k1, k2, k3 = jax.random.split(key, 3)
    x = jax.random.normal(k1, (N, H, W, C), dtype=jnp.float32)
    # unique (b, bi, bj) active blocks like gen_reducemask (deterministic scatter)
    grid = np.stack(np.meshgrid(np.arange(N), np.arange(BCOUNT[0]), np.arange(BCOUNT[1]), indexing='ij'), axis=-1).reshape(-1, 3)
    perm = np.random.RandomState(0).permutation(grid.shape[0])
    active = jnp.asarray(grid[perm[:NUM_ACTIVE]], dtype=jnp.int32)
    Wc = jax.random.normal(k2, (KSIZE, KSIZE, C, OUT_C), dtype=jnp.float32) * 0.05
    bc = jax.random.normal(k3, (OUT_C,), dtype=jnp.float32) * 0.05
    return {"sbnet_x": x, "active_block_indices": active, "num_active": NUM_ACTIVE, "Wc": Wc, "bc": bc}


def reference(sbnet_x, active_block_indices, num_active, Wc, bc):
    n = active_block_indices.shape[0]
    valid = jnp.arange(n) < num_active
    active = active_block_indices
    bidx = active[:, 0]
    # sparse_gather: slice [BSIZE, BSIZE, C] blocks at (bi*BSTRIDE, bj*BSTRIDE)
    rows = active[:, 1] * BSTRIDE
    rows = rows[:, None] + jnp.arange(BSIZE)[None, :]
    cols = active[:, 2] * BSTRIDE
    cols = cols[:, None] + jnp.arange(BSIZE)[None, :]
    p = sbnet_x[bidx[:, None, None], rows[:, :, None], cols[:, None, :], :]
    # dense conv applied on gathered block stack (NHWC)
    q = jax.lax.conv_general_dilated(p, Wc, window_strides=(STRIDE, STRIDE), padding='VALID', dimension_numbers=('NHWC', 'HWIO', 'NHWC')) + bc
    # sparse_scatter (overwrite, add=False): write [BOUT, BOUT, OUT_C] blocks at (bi*BOUT, bj*BOUT)
    orows = active[:, 1] * BOUT
    orows = orows[:, None] + jnp.arange(BOUT)[None, :]
    ocols = active[:, 2] * BOUT
    ocols = ocols[:, None] + jnp.arange(BOUT)[None, :]
    out = jnp.zeros((sbnet_x.shape[0], BCOUNT[0] * BOUT, BCOUNT[1] * BOUT, OUT_C), dtype=sbnet_x.dtype)
    sbidx = jnp.where(valid, bidx, sbnet_x.shape[0])
    y = out.at[sbidx[:, None, None], orows[:, :, None], ocols[:, None, :], :].set(q)
    return y

if __name__ == "__main__":
    import jax
    _d = setup_inputs()
    print(jax.jit(kernel)(*tuple(_d.values())))

</pallas_src>

<mosaic_0001>
module attributes {stable_mosaic.version = 14 : i64} {
  func.func @_row_kernel(%arg0: i32, %arg1: memref<288xi32, #tpu.memory_space<smem>>, %arg2: memref<32x384x96xf32, #tpu.memory_space<vmem>>, %arg3: memref<96x96xf32, #tpu.memory_space<vmem>>, %arg4: memref<1x96xf32, #tpu.memory_space<vmem>>, %arg5: memref<32x384x96xf32, #tpu.memory_space<vmem>>) attributes {dimension_semantics = [#tpu.dimension_semantics<arbitrary>], iteration_bounds = array<i64: 24>, scalar_prefetch = 1 : i64, scratch_operands = 0 : i64, tpu.core_type = #tpu.core_type<tc>, window_params = [{transform_indices = @transform_0, window_bounds = array<i64: 32, 384, 96>}, {pipeline_mode = #tpu.pipeline_mode<synchronous>, transform_indices = @transform_1, window_bounds = array<i64: 96, 96>}, {pipeline_mode = #tpu.pipeline_mode<synchronous>, transform_indices = @transform_2, window_bounds = array<i64: 1, 96>}, {transform_indices = @transform_3, window_bounds = array<i64: 32, 384, 96>}]} {
    %get3A = arith.constant 0 : index
    %get3A_0 = arith.constant 0 : index
    %get3A_1 = arith.constant 0 : index
    %get3A_2 = vector.load %arg2[%get3A, %get3A_0, %get3A_1] : memref<32x384x96xf32, #tpu.memory_space<vmem>>, vector<32x384x96xf32>
    %reshape3A = vector.shape_cast %get3A_2 : vector<32x384x96xf32> to vector<12288x96xf32>
    %get3A_3 = arith.constant 0 : index
    %get3A_4 = arith.constant 0 : index
    %get3A_5 = vector.load %arg3[%get3A_3, %get3A_4] : memref<96x96xf32, #tpu.memory_space<vmem>>, vector<96x96xf32>
    %dot_general3A = arith.constant dense<0.000000e+00> : vector<12288x96xf32>
    %dot_general3A_6 = tpu.matmul %reshape3A, %get3A_5, %dot_general3A {dimension_numbers = #tpu.dot_dimension_numbers<[1], [0], [0], [1], [0, 0, 1, 1], [], []>, transpose_lhs_hint = false} : vector<12288x96xf32>, vector<96x96xf32>, vector<12288x96xf32> -> vector<12288x96xf32>
    %get3A_7 = arith.constant 0 : index
    %get3A_8 = arith.constant 0 : index
    %get3A_9 = vector.load %arg4[%get3A_7, %get3A_8] : memref<1x96xf32, #tpu.memory_space<vmem>>, vector<1x96xf32>
    %add3A = vector.broadcast %get3A_9 : vector<1x96xf32> to vector<12288x96xf32>
    %add3A_10 = arith.addf %dot_general3A_6, %add3A : vector<12288x96xf32>
    %reshape3A_11 = vector.shape_cast %add3A_10 : vector<12288x96xf32> to vector<32x384x96xf32>
    %mul3A = arith.constant 12 : i32
    %mul3A_12 = arith.muli %arg0, %mul3A : i32
    %add3A_13 = arith.constant 0 : i32
    %add3A_14 = arith.addi %mul3A_12, %add3A_13 : i32
    %get3A_15 = arith.index_cast %add3A_14 : i32 to index
    %get3A_16 = memref.load %arg1[%get3A_15] : memref<288xi32, #tpu.memory_space<smem>>
    %convert_element_type3A = arith.sitofp %get3A_16 : i32 to f32
    %slice3A = vector.extract_strided_slice %reshape3A_11 {offsets = [0, 0, 0], sizes = [32, 32, 96], strides = [1, 1, 1]} : vector<32x384x96xf32> to vector<32x32x96xf32>
    %mul3A_17 = vector.broadcast %convert_element_type3A : f32 to vector<32x32x96xf32>
    %mul3A_18 = arith.mulf %slice3A, %mul3A_17 : vector<32x32x96xf32>
    %swap3A = arith.constant 0 : index
    %swap3A_19 = arith.constant 0 : index
    %swap3A_20 = arith.constant 0 : index
    %swap3A_21 = vector.load %arg5[%swap3A, %swap3A_19, %swap3A_20] : memref<32x384x96xf32, #tpu.memory_space<vmem>>, vector<32x32x96xf32>
    tpu.vector_store %arg5[%swap3A, %swap3A_19, %swap3A_20], %mul3A_18 {strides = array<i32>} : memref<32x384x96xf32, #tpu.memory_space<vmem>>, vector<32x32x96xf32>,
    %mul3A_22 = arith.constant 12 : i32
    %mul3A_23 = arith.muli %arg0, %mul3A_22 : i32
    %add3A_24 = arith.constant 1 : i32
    %add3A_25 = arith.addi %mul3A_23, %add3A_24 : i32
    %get3A_26 = arith.index_cast %add3A_25 : i32 to index
    %get3A_27 = memref.load %arg1[%get3A_26] : memref<288xi32, #tpu.memory_space<smem>>
    %convert_element_type3A_28 = arith.sitofp %get3A_27 : i32 to f32
    %slice3A_29 = vector.extract_strided_slice %reshape3A_11 {offsets = [0, 32, 0], sizes = [32, 32, 96], strides = [1, 1, 1]} : vector<32x384x96xf32> to vector<32x32x96xf32>
    %mul3A_30 = vector.broadcast %convert_element_type3A_28 : f32 to vector<32x32x96xf32>
    %mul3A_31 = arith.mulf %slice3A_29, %mul3A_30 : vector<32x32x96xf32>
    %swap3A_32 = arith.constant 0 : index
    %swap3A_33 = arith.constant 32 : index
    %swap3A_34 = arith.constant 0 : index
    %swap3A_35 = vector.load %arg5[%swap3A_32, %swap3A_33, %swap3A_34] : memref<32x384x96xf32, #tpu.memory_space<vmem>>, vector<32x32x96xf32>
    tpu.vector_store %arg5[%swap3A_32, %swap3A_33, %swap3A_34], %mul3A_31 {strides = array<i32>} : memref<32x384x96xf32, #tpu.memory_space<vmem>>, vector<32x32x96xf32>,
    %mul3A_36 = arith.constant 12 : i32
    %mul3A_37 = arith.muli %arg0, %mul3A_36 : i32
    %add3A_38 = arith.constant 2 : i32
    %add3A_39 = arith.addi %mul3A_37, %add3A_38 : i32
    %get3A_40 = arith.index_cast %add3A_39 : i32 to index
    %get3A_41 = memref.load %arg1[%get3A_40] : memref<288xi32, #tpu.memory_space<smem>>
    %convert_element_type3A_42 = arith.sitofp %get3A_41 : i32 to f32
    %slice3A_43 = vector.extract_strided_slice %reshape3A_11 {offsets = [0, 64, 0], sizes = [32, 32, 96], strides = [1, 1, 1]} : vector<32x384x96xf32> to vector<32x32x96xf32>
    %mul3A_44 = vector.broadcast %convert_element_type3A_42 : f32 to vector<32x32x96xf32>
    %mul3A_45 = arith.mulf %slice3A_43, %mul3A_44 : vector<32x32x96xf32>
    %swap3A_46 = arith.constant 0 : index
    %swap3A_47 = arith.constant 64 : index
    %swap3A_48 = arith.constant 0 : index
    %swap3A_49 = vector.load %arg5[%swap3A_46, %swap3A_47, %swap3A_48] : memref<32x384x96xf32, #tpu.memory_space<vmem>>, vector<32x32x96xf32>
    tpu.vector_store %arg5[%swap3A_46, %swap3A_47, %swap3A_48], %mul3A_45 {strides = array<i32>} : memref<32x384x96xf32, #tpu.memory_space<vmem>>, vector<32x32x96xf32>,
    %mul3A_50 = arith.constant 12 : i32
    %mul3A_51 = arith.muli %arg0, %mul3A_50 : i32
    %add3A_52 = arith.constant 3 : i32
    %add3A_53 = arith.addi %mul3A_51, %add3A_52 : i32
    %get3A_54 = arith.index_cast %add3A_53 : i32 to index
    %get3A_55 = memref.load %arg1[%get3A_54] : memref<288xi32, #tpu.memory_space<smem>>
    %convert_element_type3A_56 = arith.sitofp %get3A_55 : i32 to f32
    %slice3A_57 = vector.extract_strided_slice %reshape3A_11 {offsets = [0, 96, 0], sizes = [32, 32, 96], strides = [1, 1, 1]} : vector<32x384x96xf32> to vector<32x32x96xf32>
    %mul3A_58 = vector.broadcast %convert_element_type3A_56 : f32 to vector<32x32x96xf32>
    %mul3A_59 = arith.mulf %slice3A_57, %mul3A_58 : vector<32x32x96xf32>
    %swap3A_60 = arith.constant 0 : index
    %swap3A_61 = arith.constant 96 : index
    %swap3A_62 = arith.constant 0 : index
    %swap3A_63 = vector.load %arg5[%swap3A_60, %swap3A_61, %swap3A_62] : memref<32x384x96xf32, #tpu.memory_space<vmem>>, vector<32x32x96xf32>
    tpu.vector_store %arg5[%swap3A_60, %swap3A_61, %swap3A_62], %mul3A_59 {strides = array<i32>} : memref<32x384x96xf32, #tpu.memory_space<vmem>>, vector<32x32x96xf32>,
    %mul3A_64 = arith.constant 12 : i32
    %mul3A_65 = arith.muli %arg0, %mul3A_64 : i32
    %add3A_66 = arith.constant 4 : i32
    %add3A_67 = arith.addi %mul3A_65, %add3A_66 : i32
    %get3A_68 = arith.index_cast %add3A_67 : i32 to index
    %get3A_69 = memref.load %arg1[%get3A_68] : memref<288xi32, #tpu.memory_space<smem>>
    %convert_element_type3A_70 = arith.sitofp %get3A_69 : i32 to f32
    %slice3A_71 = vector.extract_strided_slice %reshape3A_11 {offsets = [0, 128, 0], sizes = [32, 32, 96], strides = [1, 1, 1]} : vector<32x384x96xf32> to vector<32x32x96xf32>
    %mul3A_72 = vector.broadcast %convert_element_type3A_70 : f32 to vector<32x32x96xf32>
    %mul3A_73 = arith.mulf %slice3A_71, %mul3A_72 : vector<32x32x96xf32>
    %swap3A_74 = arith.constant 0 : index
    %swap3A_75 = arith.constant 128 : index
    %swap3A_76 = arith.constant 0 : index
    %swap3A_77 = vector.load %arg5[%swap3A_74, %swap3A_75, %swap3A_76] : memref<32x384x96xf32, #tpu.memory_space<vmem>>, vector<32x32x96xf32>
    tpu.vector_store %arg5[%swap3A_74, %swap3A_75, %swap3A_76], %mul3A_73 {strides = array<i32>} : memref<32x384x96xf32, #tpu.memory_space<vmem>>, vector<32x32x96xf32>,
    %mul3A_78 = arith.constant 12 : i32
    %mul3A_79 = arith.muli %arg0, %mul3A_78 : i32
    %add3A_80 = arith.constant 5 : i32
    %add3A_81 = arith.addi %mul3A_79, %add3A_80 : i32
    %get3A_82 = arith.index_cast %add3A_81 : i32 to index
    %get3A_83 = memref.load %arg1[%get3A_82] : memref<288xi32, #tpu.memory_space<smem>>
    %convert_element_type3A_84 = arith.sitofp %get3A_83 : i32 to f32
    %slice3A_85 = vector.extract_strided_slice %reshape3A_11 {offsets = [0, 160, 0], sizes = [32, 32, 96], strides = [1, 1, 1]} : vector<32x384x96xf32> to vector<32x32x96xf32>
    %mul3A_86 = vector.broadcast %convert_element_type3A_84 : f32 to vector<32x32x96xf32>
    %mul3A_87 = arith.mulf %slice3A_85, %mul3A_86 : vector<32x32x96xf32>
    %swap3A_88 = arith.constant 0 : index
    %swap3A_89 = arith.constant 160 : index
    %swap3A_90 = arith.constant 0 : index
    %swap3A_91 = vector.load %arg5[%swap3A_88, %swap3A_89, %swap3A_90] : memref<32x384x96xf32, #tpu.memory_space<vmem>>, vector<32x32x96xf32>
    tpu.vector_store %arg5[%swap3A_88, %swap3A_89, %swap3A_90], %mul3A_87 {strides = array<i32>} : memref<32x384x96xf32, #tpu.memory_space<vmem>>, vector<32x32x96xf32>,
    %mul3A_92 = arith.constant 12 : i32
    %mul3A_93 = arith.muli %arg0, %mul3A_92 : i32
    %add3A_94 = arith.constant 6 : i32
    %add3A_95 = arith.addi %mul3A_93, %add3A_94 : i32
    %get3A_96 = arith.index_cast %add3A_95 : i32 to index
    %get3A_97 = memref.load %arg1[%get3A_96] : memref<288xi32, #tpu.memory_space<smem>>
    %convert_element_type3A_98 = arith.sitofp %get3A_97 : i32 to f32
    %slice3A_99 = vector.extract_strided_slice %reshape3A_11 {offsets = [0, 192, 0], sizes = [32, 32, 96], strides = [1, 1, 1]} : vector<32x384x96xf32> to vector<32x32x96xf32>
    %mul3A_100 = vector.broadcast %convert_element_type3A_98 : f32 to vector<32x32x96xf32>
    %mul3A_101 = arith.mulf %slice3A_99, %mul3A_100 : vector<32x32x96xf32>
    %swap3A_102 = arith.constant 0 : index
    %swap3A_103 = arith.constant 192 : index
    %swap3A_104 = arith.constant 0 : index
    %swap3A_105 = vector.load %arg5[%swap3A_102, %swap3A_103, %swap3A_104] : memref<32x384x96xf32, #tpu.memory_space<vmem>>, vector<32x32x96xf32>
    tpu.vector_store %arg5[%swap3A_102, %swap3A_103, %swap3A_104], %mul3A_101 {strides = array<i32>} : memref<32x384x96xf32, #tpu.memory_space<vmem>>, vector<32x32x96xf32>,
    %mul3A_106 = arith.constant 12 : i32
    %mul3A_107 = arith.muli %arg0, %mul3A_106 : i32
    %add3A_108 = arith.constant 7 : i32
    %add3A_109 = arith.addi %mul3A_107, %add3A_108 : i32
    %get3A_110 = arith.index_cast %add3A_109 : i32 to index
    %get3A_111 = memref.load %arg1[%get3A_110] : memref<288xi32, #tpu.memory_space<smem>>
    %convert_element_type3A_112 = arith.sitofp %get3A_111 : i32 to f32
    %slice3A_113 = vector.extract_strided_slice %reshape3A_11 {offsets = [0, 224, 0], sizes = [32, 32, 96], strides = [1, 1, 1]} : vector<32x384x96xf32> to vector<32x32x96xf32>
    %mul3A_114 = vector.broadcast %convert_element_type3A_112 : f32 to vector<32x32x96xf32>
    %mul3A_115 = arith.mulf %slice3A_113, %mul3A_114 : vector<32x32x96xf32>
    %swap3A_116 = arith.constant 0 : index
    %swap3A_117 = arith.constant 224 : index
    %swap3A_118 = arith.constant 0 : index
    %swap3A_119 = vector.load %arg5[%swap3A_116, %swap3A_117, %swap3A_118] : memref<32x384x96xf32, #tpu.memory_space<vmem>>, vector<32x32x96xf32>
    tpu.vector_store %arg5[%swap3A_116, %swap3A_117, %swap3A_118], %mul3A_115 {strides = array<i32>} : memref<32x384x96xf32, #tpu.memory_space<vmem>>, vector<32x32x96xf32>,
    %mul3A_120 = arith.constant 12 : i32
    %mul3A_121 = arith.muli %arg0, %mul3A_120 : i32
    %add3A_122 = arith.constant 8 : i32
    %add3A_123 = arith.addi %mul3A_121, %add3A_122 : i32
    %get3A_124 = arith.index_cast %add3A_123 : i32 to index
    %get3A_125 = memref.load %arg1[%get3A_124] : memref<288xi32, #tpu.memory_space<smem>>
    %convert_element_type3A_126 = arith.sitofp %get3A_125 : i32 to f32
    %slice3A_127 = vector.extract_strided_slice %reshape3A_11 {offsets = [0, 256, 0], sizes = [32, 32, 96], strides = [1, 1, 1]} : vector<32x384x96xf32> to vector<32x32x96xf32>
    %mul3A_128 = vector.broadcast %convert_element_type3A_126 : f32 to vector<32x32x96xf32>
    %mul3A_129 = arith.mulf %slice3A_127, %mul3A_128 : vector<32x32x96xf32>
    %swap3A_130 = arith.constant 0 : index
    %swap3A_131 = arith.constant 256 : index
    %swap3A_132 = arith.constant 0 : index
    %swap3A_133 = vector.load %arg5[%swap3A_130, %swap3A_131, %swap3A_132] : memref<32x384x96xf32, #tpu.memory_space<vmem>>, vector<32x32x96xf32>
    tpu.vector_store %arg5[%swap3A_130, %swap3A_131, %swap3A_132], %mul3A_129 {strides = array<i32>} : memref<32x384x96xf32, #tpu.memory_space<vmem>>, vector<32x32x96xf32>,
    %mul3A_134 = arith.constant 12 : i32
    %mul3A_135 = arith.muli %arg0, %mul3A_134 : i32
    %add3A_136 = arith.constant 9 : i32
    %add3A_137 = arith.addi %mul3A_135, %add3A_136 : i32
    %get3A_138 = arith.index_cast %add3A_137 : i32 to index
    %get3A_139 = memref.load %arg1[%get3A_138] : memref<288xi32, #tpu.memory_space<smem>>
    %convert_element_type3A_140 = arith.sitofp %get3A_139 : i32 to f32
    %slice3A_141 = vector.extract_strided_slice %reshape3A_11 {offsets = [0, 288, 0], sizes = [32, 32, 96], strides = [1, 1, 1]} : vector<32x384x96xf32> to vector<32x32x96xf32>
    %mul3A_142 = vector.broadcast %convert_element_type3A_140 : f32 to vector<32x32x96xf32>
    %mul3A_143 = arith.mulf %slice3A_141, %mul3A_142 : vector<32x32x96xf32>
    %swap3A_144 = arith.constant 0 : index
    %swap3A_145 = arith.constant 288 : index
    %swap3A_146 = arith.constant 0 : index
    %swap3A_147 = vector.load %arg5[%swap3A_144, %swap3A_145, %swap3A_146] : memref<32x384x96xf32, #tpu.memory_space<vmem>>, vector<32x32x96xf32>
    tpu.vector_store %arg5[%swap3A_144, %swap3A_145, %swap3A_146], %mul3A_143 {strides = array<i32>} : memref<32x384x96xf32, #tpu.memory_space<vmem>>, vector<32x32x96xf32>,
    %mul3A_148 = arith.constant 12 : i32
    %mul3A_149 = arith.muli %arg0, %mul3A_148 : i32
    %add3A_150 = arith.constant 10 : i32
    %add3A_151 = arith.addi %mul3A_149, %add3A_150 : i32
    %get3A_152 = arith.index_cast %add3A_151 : i32 to index
    %get3A_153 = memref.load %arg1[%get3A_152] : memref<288xi32, #tpu.memory_space<smem>>
    %convert_element_type3A_154 = arith.sitofp %get3A_153 : i32 to f32
    %slice3A_155 = vector.extract_strided_slice %reshape3A_11 {offsets = [0, 320, 0], sizes = [32, 32, 96], strides = [1, 1, 1]} : vector<32x384x96xf32> to vector<32x32x96xf32>
    %mul3A_156 = vector.broadcast %convert_element_type3A_154 : f32 to vector<32x32x96xf32>
    %mul3A_157 = arith.mulf %slice3A_155, %mul3A_156 : vector<32x32x96xf32>
    %swap3A_158 = arith.constant 0 : index
    %swap3A_159 = arith.constant 320 : index
    %swap3A_160 = arith.constant 0 : index
    %swap3A_161 = vector.load %arg5[%swap3A_158, %swap3A_159, %swap3A_160] : memref<32x384x96xf32, #tpu.memory_space<vmem>>, vector<32x32x96xf32>
    tpu.vector_store %arg5[%swap3A_158, %swap3A_159, %swap3A_160], %mul3A_157 {strides = array<i32>} : memref<32x384x96xf32, #tpu.memory_space<vmem>>, vector<32x32x96xf32>,
    %mul3A_162 = arith.constant 12 : i32
    %mul3A_163 = arith.muli %arg0, %mul3A_162 : i32
    %add3A_164 = arith.constant 11 : i32
    %add3A_165 = arith.addi %mul3A_163, %add3A_164 : i32
    %get3A_166 = arith.index_cast %add3A_165 : i32 to index
    %get3A_167 = memref.load %arg1[%get3A_166] : memref<288xi32, #tpu.memory_space<smem>>
    %convert_element_type3A_168 = arith.sitofp %get3A_167 : i32 to f32
    %slice3A_169 = vector.extract_strided_slice %reshape3A_11 {offsets = [0, 352, 0], sizes = [32, 32, 96], strides = [1, 1, 1]} : vector<32x384x96xf32> to vector<32x32x96xf32>
    %mul3A_170 = vector.broadcast %convert_element_type3A_168 : f32 to vector<32x32x96xf32>
    %mul3A_171 = arith.mulf %slice3A_169, %mul3A_170 : vector<32x32x96xf32>
    %swap3A_172 = arith.constant 0 : index
    %swap3A_173 = arith.constant 352 : index
    %swap3A_174 = arith.constant 0 : index
    %swap3A_175 = vector.load %arg5[%swap3A_172, %swap3A_173, %swap3A_174] : memref<32x384x96xf32, #tpu.memory_space<vmem>>, vector<32x32x96xf32>
    tpu.vector_store %arg5[%swap3A_172, %swap3A_173, %swap3A_174], %mul3A_171 {strides = array<i32>} : memref<32x384x96xf32, #tpu.memory_space<vmem>>, vector<32x32x96xf32>,
    return
  }
  func.func @transform_0(%arg0: i32, %arg1: memref<288xi32, #tpu.memory_space<smem>>) -> (i32, i32, i32) {
    %c0_i32 = arith.constant 0 : i32
    %c0_i32_0 = arith.constant 0 : i32
    %c0_i32_1 = arith.constant 0 : i32
    return %arg0, %c0_i32, %c0_i32_0 : i32, i32, i32
  }
  func.func @transform_1(%arg0: i32, %arg1: memref<288xi32, #tpu.memory_space<smem>>) -> (i32, i32) {
    %c0_i32 = arith.constant 0 : i32
    %c0_i32_0 = arith.constant 0 : i32
    %c0_i32_1 = arith.constant 0 : i32
    return %c0_i32, %c0_i32_0 : i32, i32
  }
  func.func @transform_2(%arg0: i32, %arg1: memref<288xi32, #tpu.memory_space<smem>>) -> (i32, i32) {
    %c0_i32 = arith.constant 0 : i32
    %c0_i32_0 = arith.constant 0 : i32
    %c0_i32_1 = arith.constant 0 : i32
    return %c0_i32, %c0_i32_0 : i32, i32
  }
  func.func @transform_3(%arg0: i32, %arg1: memref<288xi32, #tpu.memory_space<smem>>) -> (i32, i32, i32) {
    %c0_i32 = arith.constant 0 : i32
    %c0_i32_0 = arith.constant 0 : i32
    %c0_i32_1 = arith.constant 0 : i32
    return %arg0, %c0_i32, %c0_i32_0 : i32, i32, i32
  }
}

</mosaic_0001>

<sc_bundles>
// kernel: sparse-core-data-format-call.cloned.1.call-start
scs
called_computation_lowered:
.L_overlay_start_0:
0x0: {  	s2 =	sld [smem:$0x3FD9]  }
0x1: {  	s3 =	sld [smem:$0x3FFE];
	_ =	sdelay $0x1  }
0x2: {  	s1 =	srdreg.scid  }
0x3: {  	s0 =	sand.u32 $0x1, s1  }
0x4: {  	s18 =	sshll.u32 s0, $0xA;
	s2 =	sadd.s32 s3, s2  }
0x5: {  	s2 =	sadd.s32 s2, s18  }
0x6: {  	[smem:$0x3FC3] =	sst s2  }
0x7: {  	_ = 	snop  }
0x8: {  	s2 =	sld [smem:$0x3FD0];
	(tm) =	ssettm $0x1  }
0x9: {  	s19 =	sld [smem:$0x3FFB];
	_ =	sdelay $0x3  }
0xa: {  	_ =	strace s19  }
0xb: {  	s3 =	sld [smem:$0x3FFC];
	_ =	sdelay $0x3  }
0xc: {  	_ =	strace s3  }
0xd: {  	s3 =	sld [smem:$0x3FFD];
	_ =	sdelay $0x3  }
0xe: {  	_ =	strace s3  }
0xf: {  	_ =	strace $0x8FFFFFFF  }
0x10: {  	s20 =	sld [smem:$0x3FDB];
	_ =	sdelay $0x1  }
0x11: {  	s4 =	simm.s32 $_scs_section_size  }
0x12: {  	s5 =	simm.s32 $_size__tile_overlayer_lowered;
	s6 =	simm.s32 $_tile_overlayer_lowered  }
0x13: {  	s23 =	simm.s32 $0x1BFF;
	s22 =	sshll.u32 s6, $0x1;
	s3 =	sadd.s32 s4, s20  }
0x14: {  	s7 =	simm.s32 $0x0;
	s21 =	sshll.u32 s5, $0x1;
	s5 =	sadd.s32 s22, s3  }
0x15: {  	[timem:s7], [sflag:s23] =	dma.local [hbm:s5], s21  }
0x16: {  	_ =	swait.ge [sflag:s23], s21  }
0x17: {  	s4 =	ssub.s32 $0x0, s21;
	[sflag:s23] =	ssyncset.done $0x0  }
0x18: {  	[sflag:s23] =	ssyncadd.s32 s4;
	_ =	sdelay $0x1  }
0x19: {  	s24 =	simm.s32 $0x1B8B  }
0x1a: {  	_ =	swait.ge [sflag:s24], $0x1  }
0x1b: {  	[sflag:s24] =	ssyncset.done $0x0  }
0x1c: {  	s26 =	simm.s32 $0x1B8E;
	s25 =	sld [smem:$0x3FFE];
	[sflag:s24] =	ssyncadd.s32 $0xFFFFFFFF  }
0x1d: {  	s27 =	simm.s32 $execute0_lowered;
	[smem:$0x3FD2] =	sst s26  }
0x1e: {  	s5 =	sshll.u32 s27, $0x1;
	_ =	strace $0x80000046;
	[dreg:$0x1] =	wrdreg $0xFFFFFFFF  }
0x1f: {  	s28 =	simm.s32 $_size_execute0_lowered;
	s3 =	sadd.s32 s3, s5;
	[dreg:$0x0] =	wrdreg $0x0  }
0x20: {  	s5 =	sshll.u32 s28, $0x1;
	[dreg:$0x2] =	wrdreg s3  }
0x21: {  	[dreg:$0x3] =	wrdreg s5  }
0x22: {  	[dreg:$0x4] =	wrdreg $0xC0  }
0x23: {  	_ =	task [dreg:s7], $0x5FFFF  }
0x24: {  	[dreg:$0x1] =	wrdreg $0xFFFFFFFF  }
0x25: {  	[dreg:$0x0] =	wrdreg $0x60  }
0x26: {  	[dreg:$0x2] =	wrdreg s25  }
0x27: {  	[dreg:$0x3] =	wrdreg s2  }
0x28: {  	[dreg:$0x4] =	wrdreg $0x9  }
0x29: {  	_ =	task.clear_ibuf [dreg:s7], $0x5FFFF;
	_ =	strace $0x90000046  }
0x2a: {  	s29 =	simm.s32 $0x9;
	_ =	strace $0x80000048  }
0x2b: {  	_ =	swait.ge [sflag:s29], $0x1  }
0x2c: {  	[sflag:s29] =	ssyncadd.s32 $0xFFFFFFFF  }
0x2d: {  	_ =	strace $0x90000048  }
0x2e: {  	_ =	sfence  }
0x2f: {  	s30 =	sld [smem:$0x0];
	_ =	sdelay $0x2  }
0x30: {  	s31 =	sshll.u32 s1, $0xD;
	s1 =	sshrl.u32 s1, $0x2  }
0x31: {  	s3 =	sand.u32 $0x4000, s31;
	s1 =	sadd.s32 s1, s30  }
0x32: {  	s0 =	sor.u32 s3, s0;
	s1 =	sshll.u32 s1, $0x11  }
0x33: {  	s0 =	sor.u32 s1, s0  }
0x34: {  	s0 =	sadd.s32 $0x8F2B, s0  }
0x35: {  	[sflag:s0] =	ssyncadd.remote.s32 $0x1  }
0x36: {  	_ =	sfence.sel $0xFFFF  }
0x37: {  	[dreg:$0x0] =	wrdreg $0xFFFFFFFF;
	(pc) =	sbr.abs _section_cstart, $3  }
0x38: {  	[dreg:$0x1] =	wrdreg $0xFFFFFFFF  }
0x39: {  	_ =	task.clear_ibuf [dreg:s7], $0x2FFFF;
	_ =	strace $0x9FFFFFFF  }
0x3a: {  	(tm) =	ssettm $0x7FFFFFFF  }
0x3b: {  	_ =	shalt  }
tec
execute0_lowered:
.L_overlay_start_1:
0x0: {  	(tag) =	ssettag $0x1  }
0x1: {  	s4 =	rddreg [dreg:$0x0]  }
0x2: {  	s2 =	rddreg [dreg:$0x1]  }
0x3: {  	s1 =	stileid.u32;
	s0 =	rddreg [dreg:$0x2];
	_ =	strace $0x80000047  }
0x4: {  	s5 =	srdreg.scid;
	s8 =	simm.s32 $0x2;
	s17 =	simm.s32 $0x0  }
0x5: {  	p0 =	por $0x0, $0x0;
	s9 =	simm.s32 $0xC00;
	s18 =	simm.s32 $0x0  }
0x6: {  	s19 =	simm.s32 $0x0;
	s10 =	simm.s32 $0x0;
	s11 =	simm.s32 $0x0  }
0x7: {  	s12 =	simm.s32 $0x0;
	s13 =	simm.s32 $0x0;
	s3 =	sand.u32 $0x1, s1  }
0x8: {  	s16 =	simm.s32 $0x0;
	s5 =	sshll.u32 s5, $0x4;
	s6 =	ssub.s32 $0x2, s3  }
.Ltmp0:
0x9: {  	s7 =	sshrl.u32 s6, $0x1;
	s6 =	sand.u32 $0x1, s6;
	(pc) =	sbr.rel .LBB1_1-.Ltmp0, $4  }
0xa: {  	s4 =	sadd.s32 $0x480800, s4;
	s5 =	sand.u32 $0x10, s5;
	s6 =	sadd.s32 s6, s7  }
0xb: {  	s31 =	sor.u32 s1, s5;
	s5 =	simm.s32 $0x1;
	s6 =	smul.u32 $0x48, s6  }
0xc: {  	s15 =	smov.u32 s3;
	s7 =	sshrl.u32 s31, $0x1;
	[sflag:s5] =	ssyncpa.u1 $0x0  }
0xd: {  	[sflag:s8] =	ssyncpa.u1 $0x0;
	s14 =	smov.u32 s7;
	s8 =	sor.u32 $0x1, s6  }
.LBB1_4:
0xe: {  	s25 =	sshll.u32 s10, $0x3  }
0xf: {  	s26 =	sand.u32 $0x7F, s10;
	[tilespmem:s22+$0x2040 ss:$0x81] =	vst.msk $0xffff, v4;
	s25 =	sand.u32 $0xFFFFFC00, s25  }
0x10: {  	s24 =	sshra.s32 s24, $0x2;
	[tilespmem:s22+$0x2850 ss:$0x81] =	vst.msk $0xffff, v3;
	s26 =	sor.u32 s26, s25;
	s25 =	smulhi.u32 $0xAAAAAAAB, s25  }
0x11: {  	p1 =	sgt.s32 s12, $0x1;
	s29 =	sshra.s32 s12, $0x1F;
	[tilespmem:s22+$0x3060 ss:$0x81] =	vst.msk $0xffff, v2;
	s27 =	smulhi.u32 $0xAAAAAAAB, s26  }
0x12: {  	s31 =	sshra.s32 s11, $0x1F;
	[tilespmem:s22+$0x0 ss:$0x81] =	vst.msk $0xffff, v1;
	s22 =	smov.u32 s10;
	s25 =	sshrl.u32 s25, $0x8  }
0x13: {  	s23 =	sadd.s32 s24, s23;
	s30 =	sshrl.u32 s27, $0x8;
	s28 =	smulhi.u32 $0x2AAAAAB, s25  }
0x14: {  	s29 =	sand.u32 s29, s12;
	s27 =	smov.u32 s12;
	s24 =	smul.u32 $0x180, s30  }
0x15: {  	s27 =	simm.s32 @!p1 $0x1;
	p1 =	sgt.s32 s11, $0x17F;
	s30 =	smov.u32 s11  }
0x16: {  	s31 =	sand.u32 s31, s11;
	s29 =	sxor.u32 $0xFFFFFFFF, s29;
	s30 =	simm.s32 @!p1 $0x17F  }
0x17: {  	v5 =	vld [tilespmem:s21+$0xFFFFFFD0];
	s27 =	sadd.s32 s29, s27;
	s28 =	smul.u32 $0x60, s28;
	s31 =	ssub.s32 s30, s31  }
0x18: {  	v58 =	vld [tilespmem:s21+$0xFFFFFFE0];
	p1 =	sgt.s32 s27, $0x0;
	s27 =	ssub.s32 $0x1, s27;
	s30 =	sadd.s32 $0xFFFFFE81, s31  }
0x19: {  	v59 =	vld [tilespmem:s21+$0xFFFFFFF0];
	s29 =	ssub.s32 $0x180, s31;
	s27 =	smul.u32 $0x60, s27;
	p2 =	sgt.s32 s30, $0x0  }
0x1a: {  	v60 =	vld [tilespmem:s21+$0x0];
	s31 =	sshra.s32 s10, $0x1F;
	s29 =	simm.s32 @p2 $0x0;
	p2 =	sgt.s32 s10, $0x100  }
0x1b: {  	v61 =	vld [tilespmem:s21+$0x10];
	[tilespmem:s23+$0x3870 ss:$0x81] =	vst.msk $0xffff, v0;
	s24 =	ssub.s32 s26, s24;
	s30 =	sand.u32 s31, s10;
	s22 =	simm.s32 @!p2 $0x100  }
0x1c: {  	v62 =	vld [tilespmem:s21+$0x20];
	[tilespmem:s23+$0x810 ss:$0x81] =	vst.msk $0xffff, v5;
	s31 =	smul.u32 $0x1B0000, s12;
	s27 =	simm.s32 @p1 $0x0;
	s22 =	ssub.s32 s22, s30  }
0x1d: {  	v63 =	vld [tilespmem:s21+$0xFFFFFFC0];
	[tilespmem:s23+$0x1020 ss:$0x81] =	vst.msk $0xffff, v58;
	s26 =	smul.u32 s29, s27;
	s29 =	ssub.s32 s25, s28;
	s30 =	sadd.s32 $0xFFFFFF00, s22  }
0x1e: {  	[tilespmem:s23+$0x1830 ss:$0x81] =	vst.msk $0xffff, v59;
	s28 =	smul.u32 $0x1200, s11;
	s22 =	ssub.s32 $0x180, s22;
	p1 =	sgt.s32 s30, $0x7F  }
0x1f: {  	[tilespmem:s23+$0x2040 ss:$0x81] =	vst.msk $0xffff, v60;
	s27 =	sadd.s32 s2, s31;
	s21 =	smul.u32 $0x30, s29;
	s22 =	simm.s32 @p1 $0x0  }
0x20: {  	[tilespmem:s23+$0x2850 ss:$0x81] =	vst.msk $0xffff, v61;
	s29 =	sand.u32 $0x7, s24;
	s25 =	sadd.s32 s28, s27;
	s22 =	smul.u32 s22, s26  }
0x21: {  	[tilespmem:s23+$0x3060 ss:$0x81] =	vst.msk $0xffff, v62;
	s24 =	sshrl.u32 s24, $0x3;
	s21 =	sadd.s32 s21, s25;
	s30 =	sshll.u32 s29, $0x12  }
0x22: {  	[tilespmem:s23+$0x0 ss:$0x81] =	vst.msk $0xffff, v63;
	s21 =	sadd.s32 s24, s21;
	s31 =	sor.u32 $0x400, s30;
	s22 =	sand.u32 $0x3FFFFFE0, s22  }
0x23: {  	[hbm4b:s21+s31] =	stream.strided.scatter [tilespmem:s20], [sflag:$0x2], s22, s9, s31, $0x20;
	[tilespmem:$0x10100] =	vst v63  }
.LBB1_5:
0x24: {  	p1 =	slt.u32 s16, $0x2;
	s21 =	smov.u32 s19  }
0x25: {  	p2 =	sgt.s32 @!p1 s19, $0x1;
	s20 =	sshra.s32 @!p1 s19, $0x1F;
	s22 =	sshra.s32 @!p1 s17, $0x1F  }
0x26: {  	p2 =	por !p2, p1;
	s19 =	sand.u32 @!p1 s20, s19;
	s20 =	smov.u32 s18  }
0x27: {  	s21 =	simm.s32 @p2 $0x1;
	s19 =	sxor.u32 @!p1 $0xFFFFFFFF, s19;
	p2 =	sgt.s32 @!p1 s18, $0x17F  }
0x28: {  	s19 =	sadd.s32 @!p1 s19, s21;
	p3 =	por !p2, p1;
	s21 =	sshra.s32 @!p1 s18, $0x1F  }
0x29: {  	p2 =	sgt.s32 @!p1 s19, $0x0;
	s20 =	simm.s32 @p3 $0x17F;
	s18 =	sand.u32 @!p1 s21, s18  }
0x2a: {  	s19 =	ssub.s32 @!p1 $0x1, s19;
	p3 =	sgt.s32 @!p1 s17, $0x100;
	s21 =	smov.u32 s17  }
0x2b: {  	s17 =	sand.u32 @!p1 s22, s17;
	s18 =	ssub.s32 @!p1 s20, s18;
	p3 =	por !p3, p1  }
0x2c: {  	s19 =	smul.u32 @!p1 $0x60, s19;
	s20 =	sadd.s32 @!p1 $0xFFFFFE81, s18;
	s21 =	simm.s32 @p3 $0x100  }
0x2d: {  	p2 =	por !p2, p1;
	p3 =	sgt.s32 @!p1 s20, $0x0;
	s17 =	ssub.s32 @!p1 s21, s17  }
0x2e: {  	s18 =	ssub.s32 @!p1 $0x180, s18;
	p3 =	por !p3, p1;
	s20 =	sadd.s32 @!p1 $0xFFFFFF00, s17  }
0x2f: {  	s19 =	simm.s32 @!p2 $0x0;
	s18 =	simm.s32 @!p3 $0x0;
	p3 =	sgt.s32 @!p1 s20, $0x7F  }
0x30: {  	s17 =	ssub.s32 @!p1 $0x180, s17;
	p2 =	por !p3, p1;
	s18 =	smul.u32 @!p1 s18, s19  }
0x31: {  	s21 =	smov.u32 s14;
	s20 =	sadd.s32 $0x80, s13;
	s17 =	simm.s32 @!p2 $0x0  }
0x32: {  	p2 =	sgt.s32 s20, $0x17F;
	s17 =	smul.u32 @!p1 s17, s18;
	s18 =	sadd.s32 $0x10, s14  }
0x33: {  	s21 =	smov.u32 @p2 s18  }
0x34: {  	s23 =	smov.u32 s15;
	s18 =	sadd.s32 $0x2, s15;
	p3 =	sgt.s32 s21, $0x17F  }
0x35: {  	p0 =	por !p0, !p0;
	s22 =	simm.s32 @!p1 $0x2;
	s23 =	smov.u32 @p3 s18  }
0x36: {  	s19 =	smov.u32 s12;
	s20 =	simm.s32 @p2 $0x0;
	p2 =	sgt.s32 s23, $0x1  }
0x37: {  	s17 =	sand.u32 @!p1 $0x3FFFFFE0, s17;
	s23 =	smov.u32 @p2 s3;
	p2 =	sne.s32 s16, s8  }
.Ltmp1:
0x38: {  	s12 =	smov.u32 s15;
	_ =	swait.ge @!p1 [sflag:s22], s17;
	(pc) =	sbr.rel @!p2 .LBB1_6-.Ltmp1, $4  }
0x39: {  	s24 =	ssub.s32 @!p1 $0x0, s17;
	s21 =	smov.u32 @p3 s7;
	s17 =	smov.u32 s10  }
0x3a: {  	s18 =	smov.u32 s11;
	s10 =	smov.u32 s13;
	s11 =	smov.u32 s14  }
0x3b: {  	s13 =	smov.u32 s20;
	[sflag:s22] =	ssyncset.done @!p1 $0x0;
	s14 =	smov.u32 s21  }
0x3c: {  	s16 =	sadd.s32 $0x1, s16;
	[sflag:s22] =	ssyncadd.s32 @!p1 s24;
	s15 =	smov.u32 s23  }
.LBB1_1:
0x3d: {  	p1 =	sge.u32 s16, s6  }
0x3e: {  	s20 =	sand.u32 @!p1 $0x1FFFFFF, s13  }
0x3f: {  	s21 =	smulhi.u32 @!p1 $0xAAAAAB, s20  }
0x40: {  	s22 =	smul.u32 @!p1 $0x240000, s15  }
0x41: {  	s21 =	smul.u32 @!p1 $0x180, s21  }
0x42: {  	s31 =	sadd.s32 $0xFFFFFFFF, s16;
	s23 =	smul.u32 @!p1 $0x1800, s14  }
0x43: {  	s22 =	sadd.s32 @!p1 s4, s22;
	s20 =	ssub.s32 @!p1 s20, s21;
	s21 =	sxor.u32 @!p1 $0xFFFFFFFF, s16  }
0x44: {  	s22 =	sadd.s32 @!p1 s23, s22;
	s21 =	sshll.u32 @!p1 s21, $0xE;
	s20 =	sshll.u32 @!p1 s20, $0x4  }
0x45: {  	s21 =	sand.u32 @!p1 $0x4000, s21;
	s20 =	sadd.s32 @!p1 s20, s22;
	s22 =	simm.s32 @!p1 $0x0  }
0x46: {  	[tilespmem:s21], [sflag:$0x1] =	stream.linear.gather @!p1 [hbm4b:s20+s22], $0x4000, $0x38;
	[tilespmem:$0x10100] =	vst v63  }
0x47: {  	p1 =	sge.u32 s31, s6  }
.Ltmp2:
0x48: {  	_ = 	snop;
	(pc) =	sbr.rel @p1 .LBB1_5-.Ltmp2, $1  }
0x49: {  	_ =	sdelay $0x3  }
0x4a: {  	s20 =	simm.s32 $0x1  }
0x4b: {  	_ =	swait.ge [sflag:s5], $0x4000;
	s20 =	simm.s32 @!p0 $0x0  }
0x4c: {  	[sflag:s5] =	ssyncset.done $0x0;
	s21 =	sshll.u32 s20, $0xE  }
0x4d: {  	[sflag:s5] =	ssyncadd.s32 $0xFFFFC000;
	s21 =	sor.u32 $0x40, s21  }
0x4e: {  	s20 =	smul.u32 $0x10200, s20;
	v0 =	vld [tilespmem:s21+$0x30]  }
0x4f: {  	v1 =	vld [tilespmem:s21+$0xFFFFFFD0]  }
0x50: {  	s20 =	sshrl.u32 s20, $0x2;
	v5 =	vld [tilespmem:s21+$0xFFFFFFE0]  }
0x51: {  	v6 =	vld [tilespmem:s21+$0xFFFFFFF0];
	s23 =	sor.u32 $0x8000, s20  }
0x52: {  	s31 =	sand.u32 $0x1, s16;
	v4 =	vld [tilespmem:s21+$0x0];
	s22 =	sadd.s32 $0x0, s23  }
0x53: {  	v3 =	vld [tilespmem:s21+$0x10];
	s20 =	smul.u32 $0x10200, s31;
	[tilespmem:s22+$0x3870 ss:$0x81] =	vst.msk $0xffff, v0  }
0x54: {  	v2 =	vld [tilespmem:s21+$0x20];
	[tilespmem:s22+$0x810 ss:$0x81] =	vst.msk $0xffff, v1  }
0x55: {  	s20 =	sshrl.u32 s20, $0x2;
	v1 =	vld [tilespmem:s21+$0xFFFFFFC0];
	[tilespmem:s22+$0x1020 ss:$0x81] =	vst.msk $0xffff, v5;
	s21 =	sadd.s32 $0x80, s21  }
0x56: {  	s24 =	simm.s32 $0x4;
	s25 =	simm.s32 $0x8;
	s20 =	sor.u32 $0x8000, s20;
	[tilespmem:s22+$0x1830 ss:$0x81] =	vst.msk $0xffff, v6;
	v0 =	vld [tilespmem:s21+$0x30]  }
.LBB1_3:
0x57: {  	p1 =	sne.s32 s25, $0x1FC;
	v5 =	vld [tilespmem:s21+$0xFFFFFFD0];
	[tilespmem:s22+$0x2040 ss:$0x81] =	vst.msk $0xffff, v4  }
0x58: {  	v6 =	vld [tilespmem:s21+$0xFFFFFFE0];
	[tilespmem:s22+$0x2850 ss:$0x81] =	vst.msk $0xffff, v3  }
0x59: {  	s26 =	sshra.s32 s24, $0x2;
	s24 =	smov.u32 s25;
	v7 =	vld [tilespmem:s21+$0xFFFFFFF0];
	[tilespmem:s22+$0x3060 ss:$0x81] =	vst.msk $0xffff, v2  }
.Ltmp3:
0x5a: {  	v4 =	vld [tilespmem:s21+$0x0];
	[tilespmem:s22+$0x0 ss:$0x81] =	vst.msk $0xffff, v1;
	s22 =	sadd.s32 s26, s23;
	(pc) =	sbr.rel @p1 .LBB1_3-.Ltmp3, $4  }
0x5b: {  	v3 =	vld [tilespmem:s21+$0x10];
	[tilespmem:s22+$0x3870 ss:$0x81] =	vst.msk $0xffff, v0  }
0x5c: {  	[tilespmem:s22+$0x810 ss:$0x81] =	vst.msk $0xffff, v5;
	v2 =	vld [tilespmem:s21+$0x20]  }
0x5d: {  	v1 =	vld [tilespmem:s21+$0xFFFFFFC0];
	[tilespmem:s22+$0x1020 ss:$0x81] =	vst.msk $0xffff, v6;
	s21 =	sadd.s32 $0x80, s21  }
0x5e: {  	s25 =	sadd.s32 $0x4, s25;
	v0 =	vld [tilespmem:s21+$0x30];
	[tilespmem:s22+$0x1830 ss:$0x81] =	vst.msk $0xffff, v7  }
.Ltmp4:
0x5f: {  	_ = 	snop;
	(pc) =	sbr.rel .LBB1_4-.Ltmp4, $1  }
0x60: {  	_ =	sdelay $0x3  }
.LBB1_6:
0x61: {  	_ =	sfence.sel $0x180000  }
0x62: {  	s2 =	simm.s32 $0x1;
	[bflag:$0x0] =	sbarrier.arrive $0xFFFF  }
0x63: {  	s31 =	simm.s32 $0x2;
	[sflag:s2] =	ssyncpa.u1 $0x1  }
0x64: {  	[sflag:s31] =	ssyncpa.u1 $0x1  }
0x65: {  	p0 =	sne.s32 s1, $0x0;
	_ =	strace $0x90000047  }
0x66: {  	s0 =	sadd.s32 @!p0 $0x100000, s0;
	[bflag:$0x2] =	sbarrier.arrive $0xFFFF  }
0x67: {  	[sflag:s0] =	ssyncadd.tile.s32 @!p0 $0x1;
	_ =	shalt  }
.Lfunc_end1:
_tile_overlayer_lowered:
.L_overlay_start_2:
0x68: {  	(tag) =	ssettag $0x2  }
0x69: {  	s0 =	rddreg [dreg:$0x0];
	s2 =	stileid.u32  }
0x6a: {  	s1 =	rddreg [dreg:$0x1];
	p0 =	sne.s32 s2, $0x0  }
0x6b: {  	s3 =	rddreg [dreg:$0x2];
	[bflag:$0x3] =	sbarrier.arrive $0xFFFF;
	s2 =	simm.s32 @!p0 $0x1C01  }
0x6c: {  	[timem:s3], [sflag:s2] =	dma.local @!p0 [hbm:s0], s1  }
0x6d: {  	s0 =	simm.s32 @!p0 $0x1  }
0x6e: {  	_ =	swait.ge @!p0 [sflag:s0], s1  }
0x6f: {  	s1 =	ssub.s32 @!p0 $0x0, s1;
	[sflag:s0] =	ssyncset.done @!p0 $0x0  }
0x70: {  	[sflag:s0] =	ssyncadd.s32 @!p0 s1  }
0x71: {  	[bflag:$0x3] =	sbarrier.arrive $0xFFFF  }
0x72: {  	_ =	shalt  }

</sc_bundles>
